<compile_context>
chip_gen: v7x
topology: tpu7x:2x2x1
jax: 0.10.2.dev20260603
libtpu: 0.0.44.dev20260713+nightly
codegen_flags: <defaults>
</compile_context>

<pallas_src>
import functools

import jax
import jax.numpy as jnp
from jax import lax
from jax.experimental import pallas as pl
from jax.experimental.pallas import tpu as pltpu
from jax.experimental.pallas import tpu_sc as plsc

_MAX_NODE_COUNT = 1000000
_EMBED_DIM = 64
_MAX_NORM = 1.0
_BATCH = 16384

_NC = 2
_NS = 16
_NW = _NC * _NS
_B_PER_W = _BATCH // _NW
_CHUNK = 128
_N_CHUNKS = _B_PER_W // _CHUNK


def _rsqrt_newton(x):
    i = lax.bitcast_convert_type(x, jnp.int32)
    i = jnp.int32(0x5F3759DF) - (i >> 1)
    y = lax.bitcast_convert_type(i, jnp.float32)
    for _ in range(3):
        y = y * (1.5 - 0.5 * x * y * y)
    return y


def _make_kernel():
    mesh = plsc.VectorSubcoreMesh(core_axis_name="c", subcore_axis_name="s")

    @functools.partial(
        pl.kernel,
        mesh=mesh,
        compiler_params=pltpu.CompilerParams(
            needs_layout_passes=False, use_tc_tiling_on_sc=False),
        out_type=jax.ShapeDtypeStruct((_BATCH, _EMBED_DIM), jnp.float32),
        scratch_types=[
            pltpu.VMEM((_B_PER_W,), jnp.int32),
            pltpu.VMEM((_B_PER_W, _EMBED_DIM), jnp.float32),
            pltpu.SemaphoreType.DMA,
        ],
    )
    def emb_kernel(ids_hbm, table_hbm, out_hbm, idx_v, rows_v, sem):
        wid = lax.axis_index("s") * _NC + lax.axis_index("c")
        base = wid * _B_PER_W

        pltpu.sync_copy(ids_hbm.at[pl.ds(base, _B_PER_W)], idx_v)

        copies = []
        for c in range(_N_CHUNKS):
            copies.append(
                pltpu.async_copy(
                    table_hbm.at[idx_v.at[pl.ds(c * _CHUNK, _CHUNK)]],
                    rows_v.at[pl.ds(c * _CHUNK, _CHUNK)],
                    sem,
                )
            )
        for cp in copies:
            cp.wait()

        def row_body(r, _):
            v0 = rows_v[r, pl.ds(0, 16)]
            v1 = rows_v[r, pl.ds(16, 16)]
            v2 = rows_v[r, pl.ds(32, 16)]
            v3 = rows_v[r, pl.ds(48, 16)]
            acc = v0 * v0 + v1 * v1 + v2 * v2 + v3 * v3
            ssq = jnp.sum(acc)
            scale = jnp.where(ssq > _MAX_NORM * _MAX_NORM,
                              _rsqrt_newton(ssq) * _MAX_NORM,
                              jnp.float32(1.0))
            rows_v[r, pl.ds(0, 16)] = v0 * scale
            rows_v[r, pl.ds(16, 16)] = v1 * scale
            rows_v[r, pl.ds(32, 16)] = v2 * scale
            rows_v[r, pl.ds(48, 16)] = v3 * scale
            return 0

        lax.fori_loop(0, _B_PER_W, row_body, 0)

        pltpu.sync_copy(rows_v, out_hbm.at[pl.ds(base, _B_PER_W)])

    return emb_kernel


_emb_kernel = _make_kernel()


@jax.jit
def kernel(node_ids, table):
    return _emb_kernel(node_ids, table)

# --- scband reference (transcript-rebuilt; emitter-appended) ---
"""Pipeline reference for scband-dynamic-embedding-model-17987323036148 (READ-ONLY COPY).

The authoritative reference and input builder live on the scoring server;
editing this copy changes nothing except your own understanding.
"""

import jax, jax.numpy as jnp
import numpy as np

MAX_NODE_COUNT = 1000000
EMBED_DIM = 64
MAX_NORM = 1.0
BATCH = 16384


def setup_inputs(seed: int = 0) -> dict:
    key = jax.random.key(seed)
    k1, k2 = jax.random.split(key)
    node_ids = jax.random.randint(k1, (BATCH,), 0, MAX_NODE_COUNT, dtype=jnp.int32)
    # nn.Embedding weight initialized with uniform_(-1, 1)
    table = jax.random.uniform(k2, (MAX_NODE_COUNT, EMBED_DIM), minval=-1.0, maxval=1.0, dtype=jnp.float32)
    return {"node_ids": node_ids, "table": table}


def reference(node_ids, table):
    # Dict-based node_id -> internal index remap is stateful bookkeeping; with a
    # fresh model, ids act as lookup indices. Core op: embedding gather with
    # torch max_norm renormalization applied to the returned rows.
    emb = jnp.take(table, node_ids, axis=0)
    norms = jnp.linalg.norm(emb, axis=-1, keepdims=True)
    scale = jnp.where(norms > MAX_NORM, MAX_NORM / (norms + 1e-7), 1.0)
    return emb * scale

if __name__ == "__main__":
    import jax
    _d = setup_inputs()
    print(jax.jit(kernel)(*tuple(_d.values())))

</pallas_src>

<mosaic_0001>
#map = affine_map<(d0, d1) -> (0)>
#map1 = affine_map<(d0, d1) -> (0, 0)>
module attributes {stable_mosaic.version = 14 : i64} {
  func.func @emb_kernel(%arg0: i32, %arg1: i32, %arg2: memref<16384xi32, #tpu.memory_space<hbm>>, %arg3: memref<1000000x64xf32, #tpu.memory_space<hbm>>, %arg4: memref<16384x64xf32, #tpu.memory_space<hbm>>, %arg5: memref<512xi32, #tpu.memory_space<vmem>>, %arg6: memref<512x64xf32, #tpu.memory_space<vmem>>, %arg7: memref<!tpu.dma_semaphore, #tpu.memory_space<semaphore_mem>>) attributes {dimension_semantics = [#tpu.dimension_semantics<core_parallel>, #tpu.dimension_semantics<subcore_parallel>], iteration_bounds = array<i64: 2, 16>, scalar_prefetch = 0 : i64, scratch_operands = 3 : i64, tpu.core_type = #tpu.core_type<sc_vector_subcore>, window_params = [{transform_indices = #map}, {transform_indices = #map1}, {transform_indices = #map1}]} {
    %mul3A = arith.constant 2 : i32
    %mul3A_0 = arith.muli %arg1, %mul3A : i32
    %add3A = arith.addi %mul3A_0, %arg0 : i32
    %mul3A_1 = arith.constant 512 : i32
    %mul3A_2 = arith.muli %add3A, %mul3A_1 : i32
    "tpu.region"() ({
      %run_scoped3A = tpu.sem_alloc : memref<!tpu.dma_semaphore, #tpu.memory_space<semaphore_mem>>
      %dma_start3A_71 = tpu.memref_slice %arg2[%mul3A_2] : memref<16384xi32, #tpu.memory_space<hbm>> -> memref<512xi32, #tpu.memory_space<hbm>>
      %dma_start3A_72 = tpu.memref_slice %arg2[%mul3A_2] : memref<16384xi32, #tpu.memory_space<hbm>> -> memref<512xi32, #tpu.memory_space<hbm>>
      tpu.enqueue_dma source(%dma_start3A_72 : memref<512xi32, #tpu.memory_space<hbm>>) target(%arg5 : memref<512xi32, #tpu.memory_space<vmem>>) target_semaphore(%run_scoped3A : memref<!tpu.dma_semaphore, #tpu.memory_space<semaphore_mem>>)
      %dma_wait3A_73 = tpu.memref_slice %arg2[%mul3A_2] : memref<16384xi32, #tpu.memory_space<hbm>> -> memref<512xi32, #tpu.memory_space<hbm>>
      %dma_wait3A_74 = tpu.memref_slice %arg2[%mul3A_2] : memref<16384xi32, #tpu.memory_space<hbm>> -> memref<512xi32, #tpu.memory_space<hbm>>
      tpu.wait_dma2 semaphore(%run_scoped3A : memref<!tpu.dma_semaphore, #tpu.memory_space<semaphore_mem>>) src(%dma_wait3A_74 : memref<512xi32, #tpu.memory_space<hbm>>) dst(%arg5 : memref<512xi32, #tpu.memory_space<vmem>>)
      tpu.yield
    }) : () -> ()
    %dma_start3A = arith.constant 0 : i32
    %dma_start3A_3 = arith.constant 0 : i32
    %dma_start3A_4 = tpu.memref_slice %arg6[%dma_start3A, %dma_start3A_3] : memref<512x64xf32, #tpu.memory_space<vmem>> -> memref<128x64xf32, #tpu.memory_space<vmem>>
    %dma_start3A_5 = arith.constant 0 : i32
    %dma_start3A_6 = tpu.memref_slice %arg5[%dma_start3A_5] : memref<512xi32, #tpu.memory_space<vmem>> -> memref<128xi32, #tpu.memory_space<vmem>>
    %dma_start3A_7 = arith.constant 0 : i32
    %dma_start3A_8 = arith.constant 0 : i32
    %dma_start3A_9 = tpu.memref_slice %arg3[%dma_start3A_7, %dma_start3A_8] : memref<1000000x64xf32, #tpu.memory_space<hbm>> -> memref<1000000x64xf32, #tpu.memory_space<hbm>>
    tpu.enqueue_indirect_dma source(%dma_start3A_9 : memref<1000000x64xf32, #tpu.memory_space<hbm>>) target(%dma_start3A_4 : memref<128x64xf32, #tpu.memory_space<vmem>>) offsets(%dma_start3A_6 : memref<128xi32, #tpu.memory_space<vmem>>) semaphore(%arg7 : memref<!tpu.dma_semaphore, #tpu.memory_space<semaphore_mem>>)
    %dma_start3A_10 = arith.constant 128 : i32
    %dma_start3A_11 = arith.constant 0 : i32
    %dma_start3A_12 = tpu.memref_slice %arg6[%dma_start3A_10, %dma_start3A_11] : memref<512x64xf32, #tpu.memory_space<vmem>> -> memref<128x64xf32, #tpu.memory_space<vmem>>
    %dma_start3A_13 = arith.constant 128 : i32
    %dma_start3A_14 = tpu.memref_slice %arg5[%dma_start3A_13] : memref<512xi32, #tpu.memory_space<vmem>> -> memref<128xi32, #tpu.memory_space<vmem>>
    %dma_start3A_15 = arith.constant 0 : i32
    %dma_start3A_16 = arith.constant 0 : i32
    %dma_start3A_17 = tpu.memref_slice %arg3[%dma_start3A_15, %dma_start3A_16] : memref<1000000x64xf32, #tpu.memory_space<hbm>> -> memref<1000000x64xf32, #tpu.memory_space<hbm>>
    tpu.enqueue_indirect_dma source(%dma_start3A_17 : memref<1000000x64xf32, #tpu.memory_space<hbm>>) target(%dma_start3A_12 : memref<128x64xf32, #tpu.memory_space<vmem>>) offsets(%dma_start3A_14 : memref<128xi32, #tpu.memory_space<vmem>>) semaphore(%arg7 : memref<!tpu.dma_semaphore, #tpu.memory_space<semaphore_mem>>)
    %dma_start3A_18 = arith.constant 256 : i32
    %dma_start3A_19 = arith.constant 0 : i32
    %dma_start3A_20 = tpu.memref_slice %arg6[%dma_start3A_18, %dma_start3A_19] : memref<512x64xf32, #tpu.memory_space<vmem>> -> memref<128x64xf32, #tpu.memory_space<vmem>>
    %dma_start3A_21 = arith.constant 256 : i32
    %dma_start3A_22 = tpu.memref_slice %arg5[%dma_start3A_21] : memref<512xi32, #tpu.memory_space<vmem>> -> memref<128xi32, #tpu.memory_space<vmem>>
    %dma_start3A_23 = arith.constant 0 : i32
    %dma_start3A_24 = arith.constant 0 : i32
    %dma_start3A_25 = tpu.memref_slice %arg3[%dma_start3A_23, %dma_start3A_24] : memref<1000000x64xf32, #tpu.memory_space<hbm>> -> memref<1000000x64xf32, #tpu.memory_space<hbm>>
    tpu.enqueue_indirect_dma source(%dma_start3A_25 : memref<1000000x64xf32, #tpu.memory_space<hbm>>) target(%dma_start3A_20 : memref<128x64xf32, #tpu.memory_space<vmem>>) offsets(%dma_start3A_22 : memref<128xi32, #tpu.memory_space<vmem>>) semaphore(%arg7 : memref<!tpu.dma_semaphore, #tpu.memory_space<semaphore_mem>>)
    %dma_start3A_26 = arith.constant 384 : i32
    %dma_start3A_27 = arith.constant 0 : i32
    %dma_start3A_28 = tpu.memref_slice %arg6[%dma_start3A_26, %dma_start3A_27] : memref<512x64xf32, #tpu.memory_space<vmem>> -> memref<128x64xf32, #tpu.memory_space<vmem>>
    %dma_start3A_29 = arith.constant 384 : i32
    %dma_start3A_30 = tpu.memref_slice %arg5[%dma_start3A_29] : memref<512xi32, #tpu.memory_space<vmem>> -> memref<128xi32, #tpu.memory_space<vmem>>
    %dma_start3A_31 = arith.constant 0 : i32
    %dma_start3A_32 = arith.constant 0 : i32
    %dma_start3A_33 = tpu.memref_slice %arg3[%dma_start3A_31, %dma_start3A_32] : memref<1000000x64xf32, #tpu.memory_space<hbm>> -> memref<1000000x64xf32, #tpu.memory_space<hbm>>
    tpu.enqueue_indirect_dma source(%dma_start3A_33 : memref<1000000x64xf32, #tpu.memory_space<hbm>>) target(%dma_start3A_28 : memref<128x64xf32, #tpu.memory_space<vmem>>) offsets(%dma_start3A_30 : memref<128xi32, #tpu.memory_space<vmem>>) semaphore(%arg7 : memref<!tpu.dma_semaphore, #tpu.memory_space<semaphore_mem>>)
    %dma_wait3A = arith.constant 0 : i32
    %dma_wait3A_34 = arith.constant 0 : i32
    %dma_wait3A_35 = tpu.memref_slice %arg6[%dma_wait3A, %dma_wait3A_34] : memref<512x64xf32, #tpu.memory_space<vmem>> -> memref<128x64xf32, #tpu.memory_space<vmem>>
    %dma_wait3A_36 = arith.constant 0 : i32
    %dma_wait3A_37 = tpu.memref_slice %arg5[%dma_wait3A_36] : memref<512xi32, #tpu.memory_space<vmem>> -> memref<128xi32, #tpu.memory_space<vmem>>
    %dma_wait3A_38 = arith.constant 0 : i32
    %dma_wait3A_39 = arith.constant 0 : i32
    %dma_wait3A_40 = tpu.memref_slice %arg3[%dma_wait3A_38, %dma_wait3A_39] : memref<1000000x64xf32, #tpu.memory_space<hbm>> -> memref<1000000x64xf32, #tpu.memory_space<hbm>>
    tpu.wait_indirect_dma semaphore(%arg7 : memref<!tpu.dma_semaphore, #tpu.memory_space<semaphore_mem>>) src(%dma_wait3A_40 : memref<1000000x64xf32, #tpu.memory_space<hbm>>) dst(%dma_wait3A_35 : memref<128x64xf32, #tpu.memory_space<vmem>>)
    %dma_wait3A_41 = arith.constant 128 : i32
    %dma_wait3A_42 = arith.constant 0 : i32
    %dma_wait3A_43 = tpu.memref_slice %arg6[%dma_wait3A_41, %dma_wait3A_42] : memref<512x64xf32, #tpu.memory_space<vmem>> -> memref<128x64xf32, #tpu.memory_space<vmem>>
    %dma_wait3A_44 = arith.constant 128 : i32
    %dma_wait3A_45 = tpu.memref_slice %arg5[%dma_wait3A_44] : memref<512xi32, #tpu.memory_space<vmem>> -> memref<128xi32, #tpu.memory_space<vmem>>
    %dma_wait3A_46 = arith.constant 0 : i32
    %dma_wait3A_47 = arith.constant 0 : i32
    %dma_wait3A_48 = tpu.memref_slice %arg3[%dma_wait3A_46, %dma_wait3A_47] : memref<1000000x64xf32, #tpu.memory_space<hbm>> -> memref<1000000x64xf32, #tpu.memory_space<hbm>>
    tpu.wait_indirect_dma semaphore(%arg7 : memref<!tpu.dma_semaphore, #tpu.memory_space<semaphore_mem>>) src(%dma_wait3A_48 : memref<1000000x64xf32, #tpu.memory_space<hbm>>) dst(%dma_wait3A_43 : memref<128x64xf32, #tpu.memory_space<vmem>>)
    %dma_wait3A_49 = arith.constant 256 : i32
    %dma_wait3A_50 = arith.constant 0 : i32
    %dma_wait3A_51 = tpu.memref_slice %arg6[%dma_wait3A_49, %dma_wait3A_50] : memref<512x64xf32, #tpu.memory_space<vmem>> -> memref<128x64xf32, #tpu.memory_space<vmem>>
    %dma_wait3A_52 = arith.constant 256 : i32
    %dma_wait3A_53 = tpu.memref_slice %arg5[%dma_wait3A_52] : memref<512xi32, #tpu.memory_space<vmem>> -> memref<128xi32, #tpu.memory_space<vmem>>
    %dma_wait3A_54 = arith.constant 0 : i32
    %dma_wait3A_55 = arith.constant 0 : i32
    %dma_wait3A_56 = tpu.memref_slice %arg3[%dma_wait3A_54, %dma_wait3A_55] : memref<1000000x64xf32, #tpu.memory_space<hbm>> -> memref<1000000x64xf32, #tpu.memory_space<hbm>>
    tpu.wait_indirect_dma semaphore(%arg7 : memref<!tpu.dma_semaphore, #tpu.memory_space<semaphore_mem>>) src(%dma_wait3A_56 : memref<1000000x64xf32, #tpu.memory_space<hbm>>) dst(%dma_wait3A_51 : memref<128x64xf32, #tpu.memory_space<vmem>>)
    %dma_wait3A_57 = arith.constant 384 : i32
    %dma_wait3A_58 = arith.constant 0 : i32
    %dma_wait3A_59 = tpu.memref_slice %arg6[%dma_wait3A_57, %dma_wait3A_58] : memref<512x64xf32, #tpu.memory_space<vmem>> -> memref<128x64xf32, #tpu.memory_space<vmem>>
    %dma_wait3A_60 = arith.constant 384 : i32
    %dma_wait3A_61 = tpu.memref_slice %arg5[%dma_wait3A_60] : memref<512xi32, #tpu.memory_space<vmem>> -> memref<128xi32, #tpu.memory_space<vmem>>
    %dma_wait3A_62 = arith.constant 0 : i32
    %dma_wait3A_63 = arith.constant 0 : i32
    %dma_wait3A_64 = tpu.memref_slice %arg3[%dma_wait3A_62, %dma_wait3A_63] : memref<1000000x64xf32, #tpu.memory_space<hbm>> -> memref<1000000x64xf32, #tpu.memory_space<hbm>>
    tpu.wait_indirect_dma semaphore(%arg7 : memref<!tpu.dma_semaphore, #tpu.memory_space<semaphore_mem>>) src(%dma_wait3A_64 : memref<1000000x64xf32, #tpu.memory_space<hbm>>) dst(%dma_wait3A_59 : memref<128x64xf32, #tpu.memory_space<vmem>>)
    %scan3A = arith.constant 0 : i32
    %scan3A_65 = arith.constant 0 : i32
    %scan3A_66 = arith.constant 512 : i32
    %scan3A_67 = arith.addi %scan3A_65, %scan3A_66 : i32
    %scan3A_68 = arith.constant 1 : i32
    %scan3A_69 = scf.for %scan3A_71 = %scan3A_65 to %scan3A_67 step %scan3A_68 iter_args(%scan3A_72 = %scan3A) -> (i32)  : i32 {
      %get3A = arith.index_cast %scan3A_71 : i32 to index
      %get3A_73 = arith.constant 0 : index
      %get3A_74 = tpu.vector_load %arg6[%get3A, %get3A_73] {strides = array<i32>} : memref<512x64xf32, #tpu.memory_space<vmem>>, vector<16xf32>,
      %get3A_75 = arith.index_cast %scan3A_71 : i32 to index
      %get3A_76 = arith.constant 16 : index
      %get3A_77 = tpu.vector_load %arg6[%get3A_75, %get3A_76] {strides = array<i32>} : memref<512x64xf32, #tpu.memory_space<vmem>>, vector<16xf32>,
      %get3A_78 = arith.index_cast %scan3A_71 : i32 to index
      %get3A_79 = arith.constant 32 : index
      %get3A_80 = tpu.vector_load %arg6[%get3A_78, %get3A_79] {strides = array<i32>} : memref<512x64xf32, #tpu.memory_space<vmem>>, vector<16xf32>,
      %get3A_81 = arith.index_cast %scan3A_71 : i32 to index
      %get3A_82 = arith.constant 48 : index
      %get3A_83 = tpu.vector_load %arg6[%get3A_81, %get3A_82] {strides = array<i32>} : memref<512x64xf32, #tpu.memory_space<vmem>>, vector<16xf32>,
      %mul3A_84 = arith.mulf %get3A_74, %get3A_74 : vector<16xf32>
      %mul3A_85 = arith.mulf %get3A_77, %get3A_77 : vector<16xf32>
      %add3A_86 = arith.addf %mul3A_84, %mul3A_85 : vector<16xf32>
      %mul3A_87 = arith.mulf %get3A_80, %get3A_80 : vector<16xf32>
      %add3A_88 = arith.addf %add3A_86, %mul3A_87 : vector<16xf32>
      %mul3A_89 = arith.mulf %get3A_83, %get3A_83 : vector<16xf32>
      %add3A_90 = arith.addf %add3A_88, %mul3A_89 : vector<16xf32>
      %reduce_sum3A = arith.constant true
      %reduce_sum3A_91 = vector.broadcast %reduce_sum3A : i1 to vector<16xi1>
      %reduce_sum3A_92 = tpu.scan <sum>, %add3A_90 masked %reduce_sum3A_91 : vector<16xf32>, vector<16xi1> -> vector<16xf32>
      %reduce_sum3A_93 = vector.extract %reduce_sum3A_92[15] : f32 from vector<16xf32>
      %gt3A = arith.constant 1.000000e+00 : f32
      %gt3A_94 = arith.cmpf ogt, %reduce_sum3A_93, %gt3A : f32
      %bitcast_convert_type3A = arith.bitcast %reduce_sum3A_93 : f32 to i32
      %shift_right_arithmetic3A = arith.constant 1 : i32
      %shift_right_arithmetic3A_95 = arith.shrsi %bitcast_convert_type3A, %shift_right_arithmetic3A : i32
      %sub3A = arith.constant 1597463007 : i32
      %sub3A_96 = arith.subi %sub3A, %shift_right_arithmetic3A_95 : i32
      %bitcast_convert_type3A_97 = arith.bitcast %sub3A_96 : i32 to f32
      %mul3A_98 = arith.constant 5.000000e-01 : f32
      %mul3A_99 = arith.mulf %mul3A_98, %reduce_sum3A_93 : f32
      %mul3A_100 = arith.mulf %mul3A_99, %bitcast_convert_type3A_97 : f32
      %mul3A_101 = arith.mulf %mul3A_100, %bitcast_convert_type3A_97 : f32
      %sub3A_102 = arith.constant 1.500000e+00 : f32
      %sub3A_103 = arith.subf %sub3A_102, %mul3A_101 : f32
      %mul3A_104 = arith.mulf %bitcast_convert_type3A_97, %sub3A_103 : f32
      %mul3A_105 = arith.constant 5.000000e-01 : f32
      %mul3A_106 = arith.mulf %mul3A_105, %reduce_sum3A_93 : f32
      %mul3A_107 = arith.mulf %mul3A_106, %mul3A_104 : f32
      %mul3A_108 = arith.mulf %mul3A_107, %mul3A_104 : f32
      %sub3A_109 = arith.constant 1.500000e+00 : f32
      %sub3A_110 = arith.subf %sub3A_109, %mul3A_108 : f32
      %mul3A_111 = arith.mulf %mul3A_104, %sub3A_110 : f32
      %mul3A_112 = arith.constant 5.000000e-01 : f32
      %mul3A_113 = arith.mulf %mul3A_112, %reduce_sum3A_93 : f32
      %mul3A_114 = arith.mulf %mul3A_113, %mul3A_111 : f32
      %mul3A_115 = arith.mulf %mul3A_114, %mul3A_111 : f32
      %sub3A_116 = arith.constant 1.500000e+00 : f32
      %sub3A_117 = arith.subf %sub3A_116, %mul3A_115 : f32
      %mul3A_118 = arith.mulf %mul3A_111, %sub3A_117 : f32
      %mul3A_119 = arith.constant 1.000000e+00 : f32
      %mul3A_120 = arith.mulf %mul3A_118, %mul3A_119 : f32
      %jit3A = arith.constant 1.000000e+00 : f32
      %select_n3A = arith.select %gt3A_94, %mul3A_120, %jit3A : f32
      %mul3A_121 = vector.broadcast %select_n3A : f32 to vector<16xf32>
      %mul3A_122 = arith.mulf %get3A_74, %mul3A_121 : vector<16xf32>
      %swap3A = arith.index_cast %scan3A_71 : i32 to index
      %swap3A_123 = arith.constant 0 : index
      %swap3A_124 = tpu.vector_load %arg6[%swap3A, %swap3A_123] {strides = array<i32>} : memref<512x64xf32, #tpu.memory_space<vmem>>, vector<16xf32>,
      tpu.vector_store %arg6[%swap3A, %swap3A_123], %mul3A_122 {strides = array<i32>} : memref<512x64xf32, #tpu.memory_space<vmem>>, vector<16xf32>,
      %mul3A_125 = vector.broadcast %select_n3A : f32 to vector<16xf32>
      %mul3A_126 = arith.mulf %get3A_77, %mul3A_125 : vector<16xf32>
      %swap3A_127 = arith.index_cast %scan3A_71 : i32 to index
      %swap3A_128 = arith.constant 16 : index
      %swap3A_129 = tpu.vector_load %arg6[%swap3A_127, %swap3A_128] {strides = array<i32>} : memref<512x64xf32, #tpu.memory_space<vmem>>, vector<16xf32>,
      tpu.vector_store %arg6[%swap3A_127, %swap3A_128], %mul3A_126 {strides = array<i32>} : memref<512x64xf32, #tpu.memory_space<vmem>>, vector<16xf32>,
      %mul3A_130 = vector.broadcast %select_n3A : f32 to vector<16xf32>
      %mul3A_131 = arith.mulf %get3A_80, %mul3A_130 : vector<16xf32>
      %swap3A_132 = arith.index_cast %scan3A_71 : i32 to index
      %swap3A_133 = arith.constant 32 : index
      %swap3A_134 = tpu.vector_load %arg6[%swap3A_132, %swap3A_133] {strides = array<i32>} : memref<512x64xf32, #tpu.memory_space<vmem>>, vector<16xf32>,
      tpu.vector_store %arg6[%swap3A_132, %swap3A_133], %mul3A_131 {strides = array<i32>} : memref<512x64xf32, #tpu.memory_space<vmem>>, vector<16xf32>,
      %mul3A_135 = vector.broadcast %select_n3A : f32 to vector<16xf32>
      %mul3A_136 = arith.mulf %get3A_83, %mul3A_135 : vector<16xf32>
      %swap3A_137 = arith.index_cast %scan3A_71 : i32 to index
      %swap3A_138 = arith.constant 48 : index
      %swap3A_139 = tpu.vector_load %arg6[%swap3A_137, %swap3A_138] {strides = array<i32>} : memref<512x64xf32, #tpu.memory_space<vmem>>, vector<16xf32>,
      tpu.vector_store %arg6[%swap3A_137, %swap3A_138], %mul3A_136 {strides = array<i32>} : memref<512x64xf32, #tpu.memory_space<vmem>>, vector<16xf32>,
      %scan3A_140 = arith.constant 0 : i32
      scf.yield %scan3A_140 : i32
    }
    %scan3A_70 = arith.constant 512 : i32
    "tpu.region"() ({
      %run_scoped3A = tpu.sem_alloc : memref<!tpu.dma_semaphore, #tpu.memory_space<semaphore_mem>>
      %dma_start3A_71 = arith.constant 0 : i32
      %dma_start3A_72 = tpu.memref_slice %arg4[%mul3A_2, %dma_start3A_71] : memref<16384x64xf32, #tpu.memory_space<hbm>> -> memref<512x64xf32, #tpu.memory_space<hbm>>
      %dma_start3A_73 = arith.constant 0 : i32
      %dma_start3A_74 = tpu.memref_slice %arg4[%mul3A_2, %dma_start3A_73] : memref<16384x64xf32, #tpu.memory_space<hbm>> -> memref<512x64xf32, #tpu.memory_space<hbm>>
      tpu.enqueue_dma source(%arg6 : memref<512x64xf32, #tpu.memory_space<vmem>>) target(%dma_start3A_74 : memref<512x64xf32, #tpu.memory_space<hbm>>) target_semaphore(%run_scoped3A : memref<!tpu.dma_semaphore, #tpu.memory_space<semaphore_mem>>)
      %dma_wait3A_75 = arith.constant 0 : i32
      %dma_wait3A_76 = tpu.memref_slice %arg4[%mul3A_2, %dma_wait3A_75] : memref<16384x64xf32, #tpu.memory_space<hbm>> -> memref<512x64xf32, #tpu.memory_space<hbm>>
      %dma_wait3A_77 = arith.constant 0 : i32
      %dma_wait3A_78 = tpu.memref_slice %arg4[%mul3A_2, %dma_wait3A_77] : memref<16384x64xf32, #tpu.memory_space<hbm>> -> memref<512x64xf32, #tpu.memory_space<hbm>>
      tpu.wait_dma2 semaphore(%run_scoped3A : memref<!tpu.dma_semaphore, #tpu.memory_space<semaphore_mem>>) src(%arg6 : memref<512x64xf32, #tpu.memory_space<vmem>>) dst(%dma_wait3A_78 : memref<512x64xf32, #tpu.memory_space<hbm>>)
      tpu.yield
    }) : () -> ()
    return
  }
}

</mosaic_0001>

<sc_bundles>
// kernel: kernel.3.cloned.1.call-start
scs
__scs_entry_jumppad:
0x0: {  	(pc) =	sbr.rel $0x88, $3  }
0x1: {  	(tag) =	ssettag $0x0;
	lr =	simm.s32 $0x1  }
0x2: {  	[smem:$0x3F9F] =	sst lr;
	_ =	strace $0xD0000000  }
0x3: {  	_ = 	snop  }
0x4: {  	_ = 	snop  }
0x5: {  	_ = 	snop  }
0x6: {  	_ = 	snop  }
0x7: {  	_ = 	snop  }
__scs_overlays_trampoline_lowered:
0x8: {  	[smem:$0x3FAE] =	sst s0  }
0x9: {  	[smem:$0x3FAF] =	sst s1  }
0xa: {  	[smem:$0x3FB0] =	sst s2  }
0xb: {  	[smem:$0x3FB1] =	sst s3  }
0xc: {  	[smem:$0x3FB2] =	sst s4  }
0xd: {  	[smem:$0x3FB3] =	sst s5  }
0xe: {  	[smem:$0x3FB4] =	sst s6  }
0xf: {  	[smem:$0x3FB5] =	sst s7  }
0x10: {  	[smem:$0x3FB6] =	sst s8  }
0x11: {  	[smem:$0x3FB7] =	sst s9;
	s0 =	simm.s32 @!p0 $0x0  }
0x12: {  	s1 =	sld [smem:$0x3F9D];
	s0 =	simm.s32 @p0 $0x1  }
0x13: {  	[smem:$0x3FB8] =	sst s0;
	s0 =	simm.s32 @!p1 $0x0  }
0x14: {  	s2 =	sld [smem:$0x3F9C];
	s0 =	simm.s32 @p1 $0x1  }
0x15: {  	[smem:$0x3FB9] =	sst s0;
	s0 =	simm.s32 @!p2 $0x0  }
0x16: {  	s3 =	sld [smem:$0x3FDB];
	s0 =	simm.s32 @p2 $0x1  }
0x17: {  	s4 =	simm.s32 $0x1BF5;
	[smem:$0x3FBB] =	sst s0  }
0x18: {  	s0 =	sld [smem:$0x3F9E];
	_ =	swait.ge [sflag:s4], $0x0  }
0x19: {  	s7 =	sld [smem:$0x3F9F]  }
0x1a: {  	s8 =	sadd.s32 $0xFFFFE003, lr  }
0x1b: {  	s9 =	sadd.s32 $0xFFFFFEF7, lr;
	s5 =	simm.s32 $0xFFFFFFFF;
	p2 =	slt.u32 s8, $0xFFFFF086  }
0x1c: {  	p1 =	slt.u32 s9, $0xF7A;
	s5 =	simm.s32 @!p2 $0x0  }
0x1d: {  	s5 =	simm.s32 @p1 $0x1;
	p0 =	seq.s32 s7, s2  }
0x1e: {  	s7 =	smul.u32 @!p0 $0xF7A, s2;
	p2 =	seq.s32 @!p0 s5, $0x0  }
0x1f: {  	s9 =	smul.u32 $0xF7A, s1;
	s8 =	simm.s32 @!p0 $0x1BF5;
	p2 =	por !p2, p0  }
0x20: {  	[sflag:s8] =	ssyncset.s32 @!p0 $0xFFFFF086;
	s6 =	sadd.s32 @!p0 s3, s7;
	s7 =	simm.s32 @!p0 $0x108  }
0x21: {  	s3 =	sadd.s32 s3, s9;
	s6 =	sadd.s32 @!p0 $0x88, s6;
	s7 =	simm.s32 @p2 $0x1082  }
0x22: {  	[simem:s7], [sflag:s8] =	dma.local @!p0 [hbm:s6], $0xF7A  }
0x23: {  	s9 =	sor.u32 $0xD0000000, s2;
	s6 =	simm.s32 $0x108;
	_ =	swait.ge @!p0 [sflag:s8], $0x0  }
0x24: {  	s3 =	sadd.s32 $0x88, s3;
	s6 =	simm.s32 @!p1 $0x1082;
	[sflag:s4] =	ssyncset.s32 $0xFFFFF086  }
0x25: {  	[simem:s6], [sflag:s4] =	dma.local [hbm:s3], $0xF7A  }
0x26: {  	[smem:$0x3F9F] =	sst s1;
	(tag) =	ssettag s2;
	_ =	strace s9  }
0x27: {  	s1 =	sld [smem:$0x3FAF]  }
0x28: {  	s2 =	sld [smem:$0x3FB0]  }
0x29: {  	s4 =	sld [smem:$0x3FB2]  }
0x2a: {  	p0 =	seq.s32 s5, $0x0;
	s5 =	sld [smem:$0x3FB3]  }
0x2b: {  	s6 =	sld [smem:$0x3FB4]  }
0x2c: {  	s7 =	sld [smem:$0x3FB5]  }
0x2d: {  	s3 =	simm.s32 $0x108;
	s8 =	sld [smem:$0x3FB6]  }
0x2e: {  	s3 =	simm.s32 @!p0 $0x1082;
	s9 =	sld [smem:$0x3FB7]  }
0x2f: {  	lr =	sadd.s32 s0, s3;
	s0 =	sld [smem:$0x3FAE]  }
0x30: {  	s3 =	sld [smem:$0x3FB1]  }
0x31: {  	[smem:$0x3FBA] =	sst s10  }
0x32: {  	s10 =	sld [smem:$0x3FB8];
	_ =	sdelay $0x3  }
0x33: {  	p0 =	seq.s32 s10, $0x1;
	s10 =	sld [smem:$0x3FBA];
	_ =	sdelay $0x3  }
0x34: {  	[smem:$0x3FBA] =	sst s10  }
0x35: {  	s10 =	sld [smem:$0x3FB9];
	_ =	sdelay $0x3  }
0x36: {  	p1 =	seq.s32 s10, $0x1;
	s10 =	sld [smem:$0x3FBA];
	_ =	sdelay $0x3  }
0x37: {  	[smem:$0x3FBA] =	sst s10  }
0x38: {  	s10 =	sld [smem:$0x3FBB]  }
0x39: {  	_ = 	snop;
	(pc) =	sbr.ind lr, $3  }
0x3a: {  	_ = 	snop  }
0x3b: {  	_ = 	snop  }
0x3c: {  	p2 =	seq.s32 s10, $0x1;
	s10 =	sld [smem:$0x3FBA]  }
0x3d: {  	_ =	shalt  }
0x3e: {  	_ =	shalt  }
0x3f: {  	_ =	shalt  }
0x40: {  	_ =	shalt  }
0x41: {  	_ =	shalt  }
0x42: {  	_ =	shalt  }
0x43: {  	_ =	shalt  }
0x44: {  	_ =	shalt  }
0x45: {  	_ =	shalt  }
0x46: {  	_ =	shalt  }
0x47: {  	_ =	shalt  }
0x48: {  	_ =	shalt  }
0x49: {  	_ =	shalt  }
0x4a: {  	_ =	shalt  }
0x4b: {  	_ =	shalt  }
0x4c: {  	_ =	shalt  }
0x4d: {  	_ =	shalt  }
0x4e: {  	_ =	shalt  }
0x4f: {  	_ =	shalt  }
0x50: {  	_ =	shalt  }
0x51: {  	_ =	shalt  }
0x52: {  	_ =	shalt  }
0x53: {  	_ =	shalt  }
0x54: {  	_ =	shalt  }
0x55: {  	_ =	shalt  }
0x56: {  	_ =	shalt  }
0x57: {  	_ =	shalt  }
0x58: {  	_ =	shalt  }
0x59: {  	_ =	shalt  }
0x5a: {  	_ =	shalt  }
0x5b: {  	_ =	shalt  }
0x5c: {  	_ =	shalt  }
0x5d: {  	_ =	shalt  }
0x5e: {  	_ =	shalt  }
0x5f: {  	_ =	shalt  }
0x60: {  	_ =	shalt  }
0x61: {  	_ =	shalt  }
0x62: {  	_ =	shalt  }
0x63: {  	_ =	shalt  }
0x64: {  	_ =	shalt  }
0x65: {  	_ =	shalt  }
0x66: {  	_ =	shalt  }
0x67: {  	_ =	shalt  }
0x68: {  	_ =	shalt  }
0x69: {  	_ =	shalt  }
0x6a: {  	_ =	shalt  }
0x6b: {  	_ =	shalt  }
0x6c: {  	_ =	shalt  }
0x6d: {  	_ =	shalt  }
0x6e: {  	_ =	shalt  }
0x6f: {  	_ =	shalt  }
0x70: {  	_ =	shalt  }
0x71: {  	_ =	shalt  }
0x72: {  	_ =	shalt  }
0x73: {  	_ =	shalt  }
0x74: {  	_ =	shalt  }
0x75: {  	_ =	shalt  }
0x76: {  	_ =	shalt  }
0x77: {  	_ =	shalt  }
0x78: {  	_ =	shalt  }
0x79: {  	_ =	shalt  }
0x7a: {  	_ =	shalt  }
0x7b: {  	_ =	shalt  }
0x7c: {  	_ =	shalt  }
0x7d: {  	_ =	shalt  }
0x7e: {  	_ =	shalt  }
0x7f: {  	_ =	shalt  }
0x80: {  	_ =	shalt  }
0x81: {  	_ =	shalt  }
0x82: {  	_ =	shalt  }
0x83: {  	_ =	shalt  }
0x84: {  	_ =	shalt  }
0x85: {  	_ =	shalt  }
0x86: {  	_ =	shalt  }
0x87: {  	_ =	shalt  }
.Lfunc_end0:
.L_simem_size_0:
called_computation_lowered:
.L_overlay_start_0:
0x88: {  	s2 =	sld [smem:$0x3FD9]  }
0x89: {  	s3 =	sld [smem:$0x3FFE];
	_ =	sdelay $0x1  }
0x8a: {  	s1 =	srdreg.scid  }
0x8b: {  	s0 =	sand.u32 $0x1, s1  }
0x8c: {  	s17 =	sshll.u32 s0, $0xA;
	s2 =	sadd.s32 s3, s2  }
0x8d: {  	s2 =	sadd.s32 s2, s17  }
0x8e: {  	[smem:$0x3FC6] =	sst s2  }
0x8f: {  	_ = 	snop  }
0x90: {  	s2 =	sld [smem:$0x3FC9]  }
0x91: {  	s18 =	sld [smem:$0x3FD0];
	(tm) =	ssettm $0x1  }
0x92: {  	s4 =	sld [smem:$0x3FFB];
	_ =	sdelay $0x3  }
0x93: {  	_ =	strace s4  }
0x94: {  	s4 =	sld [smem:$0x3FFC];
	_ =	sdelay $0x3  }
0x95: {  	_ =	strace s4  }
0x96: {  	s4 =	sld [smem:$0x3FFD];
	_ =	sdelay $0x3  }
0x97: {  	_ =	strace s4  }
0x98: {  	_ =	strace $0x8FFFFFFF  }
0x99: {  	s19 =	sld [smem:$0x3FDB];
	_ =	sdelay $0x1  }
0x9a: {  	s5 =	simm.s32 $_scs_section_size  }
0x9b: {  	s6 =	simm.s32 $_size__tile_overlayer_lowered;
	s7 =	simm.s32 $_tile_overlayer_lowered  }
0x9c: {  	s22 =	simm.s32 $0x1BFF;
	s21 =	sshll.u32 s7, $0x1;
	s4 =	sadd.s32 s5, s19  }
0x9d: {  	s8 =	simm.s32 $0x0;
	s20 =	sshll.u32 s6, $0x1;
	s6 =	sadd.s32 s21, s4  }
0x9e: {  	[timem:s8], [sflag:s22] =	dma.local [hbm:s6], s20  }
0x9f: {  	_ =	swait.ge [sflag:s22], s20  }
0xa0: {  	s5 =	ssub.s32 $0x0, s20;
	[sflag:s22] =	ssyncset.done $0x0  }
0xa1: {  	[sflag:s22] =	ssyncadd.s32 s5;
	_ =	sdelay $0x1  }
0xa2: {  	s23 =	simm.s32 $0x1B8B  }
0xa3: {  	_ =	swait.ge [sflag:s23], $0x1  }
0xa4: {  	[sflag:s23] =	ssyncset.done $0x0  }
0xa5: {  	s25 =	simm.s32 $0x1B8E;
	s24 =	sld [smem:$0x3FFE];
	[sflag:s23] =	ssyncadd.s32 $0xFFFFFFFF  }
0xa6: {  	s26 =	simm.s32 $execute0_lowered;
	[smem:$0x3FD2] =	sst s25  }
0xa7: {  	s6 =	sshll.u32 s26, $0x1;
	_ =	strace $0x80000046;
	[dreg:$0x1] =	wrdreg $0xFFFFFFFF  }
0xa8: {  	s28 =	simm.s32 $_size_execute0_lowered;
	s4 =	sadd.s32 s4, s6;
	[dreg:$0x0] =	wrdreg $0x0  }
0xa9: {  	s6 =	sshll.u32 s28, $0x1;
	[dreg:$0x2] =	wrdreg s4  }
0xaa: {  	[dreg:$0x3] =	wrdreg s6  }
0xab: {  	[dreg:$0x4] =	wrdreg $0xC0  }
0xac: {  	_ =	task [dreg:s8], $0x5FFFF  }
0xad: {  	[dreg:$0x1] =	wrdreg $0xFFFFFFFF  }
0xae: {  	[dreg:$0x0] =	wrdreg $0x60  }
0xaf: {  	[dreg:$0x2] =	wrdreg s2  }
0xb0: {  	[dreg:$0x3] =	wrdreg s24  }
0xb1: {  	[dreg:$0x4] =	wrdreg s18  }
0xb2: {  	[dreg:$0x5] =	wrdreg $0x9  }
0xb3: {  	_ =	task.clear_ibuf [dreg:s8], $0x6FFFF;
	_ =	strace $0x90000046  }
0xb4: {  	s29 =	simm.s32 $0x9;
	_ =	strace $0x80000048  }
0xb5: {  	_ =	swait.ge [sflag:s29], $0x1  }
0xb6: {  	[sflag:s29] =	ssyncadd.s32 $0xFFFFFFFF  }
0xb7: {  	_ =	strace $0x90000048  }
0xb8: {  	_ =	sfence  }
0xb9: {  	s30 =	sld [smem:$0x0];
	_ =	sdelay $0x2  }
0xba: {  	s31 =	sshll.u32 s1, $0xD;
	s1 =	sshrl.u32 s1, $0x2  }
0xbb: {  	s3 =	sand.u32 $0x4000, s31;
	s1 =	sadd.s32 s1, s30  }
0xbc: {  	s0 =	sor.u32 s3, s0;
	s1 =	sshll.u32 s1, $0x11  }
0xbd: {  	s0 =	sor.u32 s1, s0  }
0xbe: {  	s0 =	sadd.s32 $0x8F2B, s0  }
0xbf: {  	[sflag:s0] =	ssyncadd.remote.s32 $0x1  }
0xc0: {  	_ =	sfence.sel $0xFFFF  }
0xc1: {  	[dreg:$0x0] =	wrdreg $0xFFFFFFFF;
	(pc) =	sbr.abs _section_cstart, $3  }
0xc2: {  	[dreg:$0x1] =	wrdreg $0xFFFFFFFF  }
0xc3: {  	_ =	task.clear_ibuf [dreg:s8], $0x2FFFF;
	_ =	strace $0x9FFFFFFF  }
0xc4: {  	(tm) =	ssettm $0x7FFFFFFF  }
0xc5: {  	_ =	shalt  }
tec
execute0_lowered:
.L_overlay_start_1:
0x0: {  	(tag) =	ssettag $0x1  }
0x1: {  	s4 =	rddreg [dreg:$0x0]  }
0x2: {  	s3 =	rddreg [dreg:$0x1]  }
0x3: {  	s5 =	rddreg [dreg:$0x2]  }
0x4: {  	s0 =	rddreg [dreg:$0x3];
	s6 =	srdreg.scid  }
0x5: {  	s2 =	simm.s32 $0x0;
	s1 =	stileid.u32;
	s10 =	simm.s32 $0x2200  }
0x6: {  	s11 =	simm.s32 $0x100;
	s12 =	simm.s32 $0x4200;
	s13 =	simm.s32 $0x180  }
0x7: {  	s14 =	simm.s32 $0x6200;
	s15 =	simm.s32 $0x1;
	s16 =	simm.s32 $0x0  }
0x8: {  	s6 =	sand.u32 $0x1, s6;
	[smem:$0x7FF] =	sst s2;
	s7 =	sshll.u32 s1, $0xA  }
0x9: {  	s3 =	sadd.s32 $0xF42800, s3;
	s8 =	sshll.u32 s6, $0x9;
	s6 =	ssub.s32 $0x2, s6  }
0xa: {  	_ =	strace $0x80000047;
	s7 =	sor.u32 s8, s7;
	s31 =	sshrl.u32 s6, $0x1  }
0xb: {  	s8 =	simm.s32 $0x80;
	s9 =	sshrl.u32 s7, $0x3;
	s7 =	sshll.u32 s7, $0x3  }
0xc: {  	s6 =	ssub.s32 s6, s31;
	s4 =	sadd.s32 s4, s9;
	s5 =	sadd.s32 s5, s7  }
0xd: {  	s6 =	smax.u32 s6, $0x1;
	s7 =	simm.s32 $0x2;
	s9 =	simm.s32 $0x200  }
.LBB2_1:
0xe: {  	[tilespmem:s2], [sflag:$0x2] =	stream.linear.gather [hbm4b:s4+s2], $0x200, $0x38;
	[tilespmem:$0x8200] =	vst v63  }
0xf: {  	_ =	swait.ge [sflag:s7], $0x200  }
0x10: {  	[sflag:s7] =	ssyncset.done $0x0  }
0x11: {  	[sflag:s7] =	ssyncadd.s32 $0xFFFFFE00  }
0x12: {  	[tilespmem:s9], [sflag:$0x1] =	stream.indirect.gather [hbm4b:s3+s8], $0x40, s2, s8, $0xb8;
	[tilespmem:$0x8200] =	vst v63  }
0x13: {  	_ = 	snop  }
0x14: {  	[tilespmem:s10], [sflag:$0x1] =	stream.indirect.gather [hbm4b:s3+s8], $0x40, s8, s8, $0xb8;
	[tilespmem:$0x8200] =	vst v63  }
0x15: {  	_ = 	snop  }
0x16: {  	[tilespmem:s12], [sflag:$0x1] =	stream.indirect.gather [hbm4b:s3+s8], $0x40, s11, s8, $0xb8;
	[tilespmem:$0x8200] =	vst v63  }
0x17: {  	_ = 	snop  }
0x18: {  	[tilespmem:s14], [sflag:$0x1] =	stream.indirect.gather [hbm4b:s3+s8], $0x40, s13, s8, $0xb8;
	[tilespmem:$0x8200] =	vst v63  }
0x19: {  	_ =	swait.ge [sflag:s15], $0x2000  }
0x1a: {  	[sflag:s15] =	ssyncset.done $0x0  }
0x1b: {  	[sflag:s15] =	ssyncadd.s32 $0xFFFFE000  }
0x1c: {  	_ =	swait.ge [sflag:s15], $0x2000  }
0x1d: {  	[sflag:s15] =	ssyncset.done $0x0  }
0x1e: {  	[sflag:s15] =	ssyncadd.s32 $0xFFFFE000  }
0x1f: {  	_ =	swait.ge [sflag:s15], $0x2000  }
0x20: {  	[sflag:s15] =	ssyncset.done $0x0  }
0x21: {  	[sflag:s15] =	ssyncadd.s32 $0xFFFFE000  }
0x22: {  	_ =	swait.ge [sflag:s15], $0x2000  }
0x23: {  	[sflag:s15] =	ssyncset.done $0x0  }
0x24: {  	s17 =	simm.s32 $0x0;
	[sflag:s15] =	ssyncadd.s32 $0xFFFFE000  }
0x25: {  	v0 =	vld [tilespmem:s17+$0x210]  }
0x26: {  	v1 =	vld [tilespmem:s17+$0x200];
	_ =	sdelay $0x1  }
0x27: {  	v2 =	vld [tilespmem:s17+$0x220];
	_ =	sdelay $0x1  }
0x28: {  	v3 =	vld [tilespmem:s17+$0x230]  }
0x29: {  	v4 =	vmul.f32 v1, v1;
	v5 =	vmul.f32 v0, v0;
	_ =	sdelay $0x1  }
0x2a: {  	v62 =	vmul.f32 v2, v2;
	v4 =	vadd.f32 v5, v4;
	_ =	sdelay $0x1  }
0x2b: {  	v63 =	vmul.f32 v3, v3;
	v4 =	vadd.f32 v62, v4;
	_ =	sdelay $0x1  }
0x2c: {  	v4 =	vadd.f32 v63, v4;
	_ =	sdelay $0x1  }
0x2d: {  	(xrf2) =	vadd.scan.msk.f32 $0xffff, v4;
	_ =	sdelay $0x9  }
0x2e: {  	v4, _, _ =	vpop (xrf2)  }
0x2f: {  	(v2sf) =	vpush v4, $0xF;
	_ =	sdelay $0xe  }
0x30: {  	s18 =	spop (v2sf)  }
0x31: {  	s19 =	sshra.s32 s18, $0x1;
	s20 =	smul.f32 $5.000000000e-01, s18  }
0x32: {  	s19 =	ssub.s32 $0x5F3759DF, s19  }
0x33: {  	s21 =	smul.f32 s19, s20;
	_ =	sdelay $0x1  }
0x34: {  	s21 =	smul.f32 s19, s21;
	_ =	sdelay $0x1  }
0x35: {  	s21 =	ssub.f32 $1.500000000e+00, s21;
	_ =	sdelay $0x1  }
0x36: {  	s19 =	smul.f32 s19, s21;
	_ =	sdelay $0x1  }
0x37: {  	s21 =	smul.f32 s19, s20;
	_ =	sdelay $0x1  }
0x38: {  	s21 =	smul.f32 s21, s19;
	_ =	sdelay $0x1  }
0x39: {  	s21 =	ssub.f32 $1.500000000e+00, s21;
	_ =	sdelay $0x1  }
0x3a: {  	s19 =	smul.f32 s21, s19;
	_ =	sdelay $0x1  }
0x3b: {  	s20 =	smul.f32 s19, s20;
	_ =	sdelay $0x1  }
0x3c: {  	s20 =	smul.f32 s20, s19;
	_ =	sdelay $0x1  }
0x3d: {  	s20 =	ssub.f32 $1.500000000e+00, s20;
	_ =	sdelay $0x1  }
0x3e: {  	p0 =	sgt.f32 s18, $1.000000000e+00;
	s18 =	smul.f32 s20, s19  }
0x3f: {  	_ = 	snop  }
0x40: {  	s18 =	simm.s32 @!p0 $0x3F800000  }
0x41: {  	v1 =	vmul.f32 s18, v1  }
0x42: {  	v0 =	vmul.f32 s18, v0  }
0x43: {  	v2 =	vmul.f32 s18, v2;
	[tilespmem:s17+$0x200] =	vst v1  }
0x44: {  	s19 =	simm.s32 $0x40;
	[tilespmem:s17+$0x210] =	vst v0;
	v1 =	vmul.f32 s18, v3  }
0x45: {  	s18 =	simm.s32 $0x200;
	v0 =	vld [tilespmem:s19+$0x210];
	[tilespmem:s17+$0x220] =	vst v2  }
.LBB2_2:
0x46: {  	p0 =	sne.s32 s18, $0x1FF00;
	v2 =	vld [tilespmem:s19+$0x200];
	[tilespmem:s17+$0x230] =	vst v1;
	s17 =	smov.u32 s19;
	_ =	sdelay $0x1  }
0x47: {  	v1 =	vld [tilespmem:s17+$0x220];
	_ =	sdelay $0x1  }
0x48: {  	v3 =	vld [tilespmem:s17+$0x230]  }
0x49: {  	v5 =	vmul.f32 v0, v0;
	v4 =	vmul.f32 v2, v2;
	_ =	sdelay $0x1  }
0x4a: {  	v4 =	vadd.f32 v5, v4;
	v5 =	vmul.f32 v1, v1;
	_ =	sdelay $0x1  }
0x4b: {  	v4 =	vadd.f32 v5, v4;
	v5 =	vmul.f32 v3, v3;
	_ =	sdelay $0x1  }
0x4c: {  	v4 =	vadd.f32 v5, v4;
	_ =	sdelay $0x1  }
0x4d: {  	(xrf2) =	vadd.scan.msk.f32 $0xffff, v4;
	_ =	sdelay $0x9  }
0x4e: {  	v4, _, _ =	vpop (xrf2)  }
0x4f: {  	(v2sf) =	vpush v4, $0xF;
	_ =	sdelay $0xe  }
0x50: {  	s19 =	spop (v2sf)  }
0x51: {  	s20 =	sshra.s32 s19, $0x1;
	s21 =	smul.f32 $5.000000000e-01, s19  }
0x52: {  	s20 =	ssub.s32 $0x5F3759DF, s20  }
0x53: {  	s22 =	smul.f32 s20, s21;
	_ =	sdelay $0x1  }
0x54: {  	s22 =	smul.f32 s20, s22;
	_ =	sdelay $0x1  }
0x55: {  	s22 =	ssub.f32 $1.500000000e+00, s22;
	_ =	sdelay $0x1  }
0x56: {  	s20 =	smul.f32 s20, s22;
	_ =	sdelay $0x1  }
0x57: {  	s22 =	smul.f32 s20, s21;
	_ =	sdelay $0x1  }
0x58: {  	s22 =	smul.f32 s22, s20;
	_ =	sdelay $0x1  }
0x59: {  	s22 =	ssub.f32 $1.500000000e+00, s22;
	_ =	sdelay $0x1  }
0x5a: {  	s20 =	smul.f32 s22, s20;
	_ =	sdelay $0x1  }
0x5b: {  	s21 =	smul.f32 s20, s21;
	_ =	sdelay $0x1  }
0x5c: {  	s21 =	smul.f32 s21, s20;
	_ =	sdelay $0x1  }
0x5d: {  	s21 =	ssub.f32 $1.500000000e+00, s21;
	_ =	sdelay $0x1  }
0x5e: {  	p1 =	sgt.f32 s19, $1.000000000e+00;
	s19 =	smul.f32 s21, s20  }
0x5f: {  	_ = 	snop  }
0x60: {  	s19 =	simm.s32 @!p1 $0x3F800000  }
.Ltmp0:
0x61: {  	v2 =	vmul.f32 s19, v2;
	v0 =	vmul.f32 s19, v0;
	(pc) =	sbr.rel @p0 .LBB2_2-.Ltmp0, $4  }
0x62: {  	v4 =	vmul.f32 s19, v1;
	v1 =	vmul.f32 s19, v3  }
0x63: {  	[tilespmem:s17+$0x200] =	vst v2  }
0x64: {  	s19 =	sshra.s32 s18, $0x2;
	[tilespmem:s17+$0x210] =	vst v0  }
0x65: {  	s18 =	sadd.s32 $0x100, s18;
	v0 =	vld [tilespmem:s19+$0x210];
	[tilespmem:s17+$0x220] =	vst v4  }
0x66: {  	v2 =	vld [tilespmem:s19+$0x200]  }
0x67: {  	[tilespmem:s17+$0x230] =	vst v1  }
0x68: {  	v1 =	vld [tilespmem:s19+$0x220];
	_ =	sdelay $0x1  }
0x69: {  	v3 =	vld [tilespmem:s19+$0x230]  }
0x6a: {  	v5 =	vmul.f32 v0, v0;
	v4 =	vmul.f32 v2, v2;
	_ =	sdelay $0x1  }
0x6b: {  	v60 =	vmul.f32 v1, v1;
	v4 =	vadd.f32 v5, v4;
	_ =	sdelay $0x1  }
0x6c: {  	v61 =	vmul.f32 v3, v3;
	v4 =	vadd.f32 v60, v4;
	_ =	sdelay $0x1  }
0x6d: {  	v4 =	vadd.f32 v61, v4;
	_ =	sdelay $0x1  }
0x6e: {  	(xrf2) =	vadd.scan.msk.f32 $0xffff, v4;
	_ =	sdelay $0x9  }
0x6f: {  	v4, _, _ =	vpop (xrf2)  }
0x70: {  	(v2sf) =	vpush v4, $0xF;
	_ =	sdelay $0xe  }
0x71: {  	s31 =	spop (v2sf)  }
0x72: {  	s18 =	sshra.s32 s31, $0x1;
	s20 =	smul.f32 $5.000000000e-01, s31  }
0x73: {  	s18 =	ssub.s32 $0x5F3759DF, s18  }
0x74: {  	s21 =	smul.f32 s18, s20;
	_ =	sdelay $0x1  }
0x75: {  	s21 =	smul.f32 s18, s21;
	_ =	sdelay $0x1  }
0x76: {  	s21 =	ssub.f32 $1.500000000e+00, s21;
	_ =	sdelay $0x1  }
0x77: {  	s18 =	smul.f32 s18, s21;
	_ =	sdelay $0x1  }
0x78: {  	s21 =	smul.f32 s18, s20;
	_ =	sdelay $0x1  }
0x79: {  	s21 =	smul.f32 s21, s18;
	_ =	sdelay $0x1  }
0x7a: {  	s21 =	ssub.f32 $1.500000000e+00, s21;
	_ =	sdelay $0x1  }
0x7b: {  	s18 =	smul.f32 s21, s18;
	_ =	sdelay $0x1  }
0x7c: {  	s20 =	smul.f32 s18, s20;
	_ =	sdelay $0x1  }
0x7d: {  	s20 =	smul.f32 s20, s18;
	_ =	sdelay $0x1  }
0x7e: {  	s20 =	ssub.f32 $1.500000000e+00, s20;
	_ =	sdelay $0x1  }
0x7f: {  	p0 =	sgt.f32 s31, $1.000000000e+00;
	s17 =	smul.f32 s20, s18  }
0x80: {  	_ = 	snop  }
0x81: {  	s17 =	simm.s32 @!p0 $0x3F800000  }
0x82: {  	v2 =	vmul.f32 s17, v2  }
0x83: {  	v62 =	vmul.f32 s17, v0  }
0x84: {  	v1 =	vmul.f32 s17, v1;
	[tilespmem:s19+$0x200] =	vst v2  }
0x85: {  	s16 =	sadd.s32 $0x1, s16;
	v63 =	vmul.f32 s17, v3;
	[tilespmem:s19+$0x210] =	vst v62  }
0x86: {  	p0 =	sne.s32 s16, s6;
	[tilespmem:s19+$0x220] =	vst v1  }
.Ltmp1:
0x87: {  	[tilespmem:s19+$0x230] =	vst v63;
	(pc) =	sbr.rel @p0 .LBB2_1-.Ltmp1, $4  }
0x88: {  	[hbm4b:s5+s2] =	stream.linear.scatter [tilespmem:s9], [sflag:$0x2], $0x8000, $0x38;
	[tilespmem:$0x8200] =	vst v63  }
0x89: {  	_ =	swait.ge [sflag:s7], $0x8000  }
0x8a: {  	[sflag:s7] =	ssyncset.done $0x0  }
0x8b: {  	[sflag:s7] =	ssyncadd.s32 $0xFFFF8000  }
0x8c: {  	_ =	sfence.sel $0x180000  }
0x8d: {  	[bflag:$0x0] =	sbarrier.arrive $0xFFFF  }
0x8e: {  	p0 =	sne.s32 s1, $0x0;
	_ =	strace $0x90000047  }
0x8f: {  	s0 =	sadd.s32 @!p0 $0x100000, s0;
	[bflag:$0x2] =	sbarrier.arrive $0xFFFF  }
0x90: {  	[sflag:s0] =	ssyncadd.tile.s32 @!p0 $0x1;
	_ =	shalt  }
.Lfunc_end2:
_tile_overlayer_lowered:
.L_overlay_start_2:
0x91: {  	(tag) =	ssettag $0x2  }
0x92: {  	s0 =	rddreg [dreg:$0x0];
	s2 =	stileid.u32  }
0x93: {  	s1 =	rddreg [dreg:$0x1];
	p0 =	sne.s32 s2, $0x0  }
0x94: {  	s3 =	rddreg [dreg:$0x2];
	[bflag:$0x3] =	sbarrier.arrive $0xFFFF;
	s2 =	simm.s32 @!p0 $0x1C02  }
0x95: {  	[timem:s3], [sflag:s2] =	dma.local @!p0 [hbm:s0], s1  }
0x96: {  	s0 =	simm.s32 @!p0 $0x2  }
0x97: {  	_ =	swait.ge @!p0 [sflag:s0], s1  }
0x98: {  	s1 =	ssub.s32 @!p0 $0x0, s1;
	[sflag:s0] =	ssyncset.done @!p0 $0x0  }
0x99: {  	[sflag:s0] =	ssyncadd.s32 @!p0 s1  }
0x9a: {  	[bflag:$0x3] =	sbarrier.arrive $0xFFFF  }
0x9b: {  	_ =	shalt  }

</sc_bundles>
